<compile_context>
chip_gen: v7x
topology: tpu7x:2x2x1
jax: 0.10.2.dev20260603
libtpu: 0.0.44.dev20260713+nightly
codegen_flags: <defaults>
</compile_context>

<pallas_src>
import functools

import jax
import jax.numpy as jnp
from jax import lax
from jax.experimental import pallas as pl
from jax.experimental.pallas import tpu as pltpu
from jax.experimental.pallas import tpu_sc as plsc

_NUM_CORES = 2
_NUM_SUBCORES = 16
_NUM_WORKERS = _NUM_CORES * _NUM_SUBCORES

_PCH = 4
_NBUF = 3


def _sc_gather(table, idx_pad, rows_per_worker):
    n_pad = idx_pad.shape[0]
    d = table.shape[1]
    mesh = plsc.VectorSubcoreMesh(core_axis_name="c", subcore_axis_name="s")

    h0 = (rows_per_worker // 2 + 7) // 8 * 8
    h1 = rows_per_worker - h0

    @functools.partial(
        pl.kernel,
        mesh=mesh,
        out_type=jax.ShapeDtypeStruct((n_pad, d), jnp.float32),
        scratch_types=[
            pltpu.VMEM((rows_per_worker,), jnp.int32),
            pltpu.VMEM((rows_per_worker, d), jnp.float32),
            pltpu.SemaphoreType.DMA,
            pltpu.SemaphoreType.DMA,
            pltpu.SemaphoreType.DMA,
        ],
    )
    def gather_kernel(table_hbm, idx_hbm, out_hbm, idx_v, rows_v, g0, g1, w0):
        wid = lax.axis_index("s") * _NUM_CORES + lax.axis_index("c")
        base = wid * rows_per_worker
        pltpu.sync_copy(idx_hbm.at[pl.ds(base, rows_per_worker)], idx_v)
        c0 = pltpu.make_async_copy(
            table_hbm.at[idx_v.at[pl.ds(0, h0)]], rows_v.at[pl.ds(0, h0)], g0)
        c1 = pltpu.make_async_copy(
            table_hbm.at[idx_v.at[pl.ds(h0, h1)]], rows_v.at[pl.ds(h0, h1)], g1)
        c0.start()
        c1.start()
        c0.wait()
        wb0 = pltpu.make_async_copy(
            rows_v.at[pl.ds(0, h0)], out_hbm.at[pl.ds(base, h0)], w0)
        wb0.start()
        c1.wait()
        pltpu.sync_copy(
            rows_v.at[pl.ds(h0, h1)], out_hbm.at[pl.ds(base + h0, h1)])
        wb0.wait()

    return gather_kernel(table, idx_pad)


def _make_add_body(b, t, p, d):
    nsteps = p // _PCH

    def add_body(pe_ref, x_hbm, o_hbm, ibuf, obuf, isem, osem):
        s = pl.program_id(0)

        def in_copy(step, slot):
            return pltpu.make_async_copy(
                x_hbm.at[:, pl.ds(step * _PCH, _PCH)], ibuf.at[slot],
                isem.at[slot])

        def out_copy(step, slot):
            return pltpu.make_async_copy(
                obuf.at[slot], o_hbm.at[:, pl.ds(step * _PCH, _PCH)],
                osem.at[slot])

        @pl.when(s == 0)
        def _prologue():
            for k in range(_NBUF):
                in_copy(k, k).start()

        slot = jax.lax.rem(s, _NBUF)
        in_copy(s, slot).wait()

        @pl.when(s >= _NBUF)
        def _():
            out_copy(s - _NBUF, slot).wait()

        pe3 = pe_ref[pl.ds(0, b * t), :].reshape(b, t, d)
        obuf[slot] = ibuf[slot] + pe3[:, None, :, :]
        out_copy(s, slot).start()

        @pl.when(s + _NBUF < nsteps)
        def _():
            in_copy(s + _NBUF, slot).start()

        @pl.when(s == nsteps - 1)
        def _epilogue():
            for k in range(_NBUF):
                step = nsteps - _NBUF + k
                out_copy(step, step % _NBUF).wait()

    return add_body, nsteps


def kernel(x, frame_indices, frame_embed):
    b, t, p, d = x.shape
    bt = b * t

    align = 8 * _NUM_WORKERS
    bt_pad = ((bt + align - 1) // align) * align
    idx = frame_indices.reshape(bt).astype(jnp.int32)
    idx_pad = jnp.pad(idx, (0, bt_pad - bt))

    pe = _sc_gather(frame_embed, idx_pad, bt_pad // _NUM_WORKERS)

    xt = jnp.swapaxes(x, 1, 2)
    add_body, nsteps = _make_add_body(b, t, p, d)
    out_t = pl.pallas_call(
        add_body,
        grid=(nsteps,),
        in_specs=[
            pl.BlockSpec((bt_pad, d), lambda s: (0, 0)),
            pl.BlockSpec(memory_space=pl.ANY),
        ],
        out_specs=pl.BlockSpec(memory_space=pl.ANY),
        out_shape=jax.ShapeDtypeStruct((b, p, t, d), jnp.float32),
        scratch_shapes=[
            pltpu.VMEM((_NBUF, b, _PCH, t, d), jnp.float32),
            pltpu.VMEM((_NBUF, b, _PCH, t, d), jnp.float32),
            pltpu.SemaphoreType.DMA((_NBUF,)),
            pltpu.SemaphoreType.DMA((_NBUF,)),
        ],
        compiler_params=pltpu.CompilerParams(
            dimension_semantics=("arbitrary",),
            vmem_limit_bytes=63 * 1024 * 1024,
        ),
    )(pe, xt)
    return jnp.swapaxes(out_t, 1, 2)

# --- scband reference (transcript-rebuilt; emitter-appended) ---
"""Pipeline reference for scband-temporal-positional-encoding-59949153517637 (READ-ONLY COPY).

The authoritative reference and input builder live on the scoring server;
editing this copy changes nothing except your own understanding.
"""

import jax, jax.numpy as jnp
import numpy as np


def setup_inputs(seed: int = 0) -> dict:
    key = jax.random.key(seed)
    k1, k2, k3 = jax.random.split(key, 3)
    x = jax.random.normal(k1, (16, 200, 196, 128), dtype=jnp.float32)
    frame_indices = jax.random.randint(k2, (16, 200), 0, 8192, dtype=jnp.int64 if jax.config.jax_enable_x64 else jnp.int32)
    # learned parameter: nn.Embedding(max_frames=8192, embed_dim=128) weight
    frame_embed = jax.random.normal(k3, (8192, 128), dtype=jnp.float32) * 0.02
    return {"x": x, "frame_indices": frame_indices, "frame_embed": frame_embed}


def reference(x, frame_indices, frame_embed):
    # 4D path of TemporalPositionalEncoding.forward with learnable embedding:
    # pe = self.frame_embed(frame_indices)  -> gather rows of embedding table
    pe = jnp.take(frame_embed, frame_indices, axis=0)  # (B, T, C)
    # x + pe[:, :, None, :]
    return x + pe[:, :, None, :]

if __name__ == "__main__":
    import jax
    _d = setup_inputs()
    print(jax.jit(kernel)(*tuple(_d.values())))

</pallas_src>

<mosaic_0001>
#map = affine_map<(d0, d1) -> (0, 0)>
#map1 = affine_map<(d0, d1) -> (0)>
module attributes {stable_mosaic.version = 14 : i64} {
  func.func @gather_kernel(%arg0: i32, %arg1: i32, %arg2: memref<8192x128xf32, #tpu.memory_space<hbm>>, %arg3: memref<3328xi32, #tpu.memory_space<hbm>>, %arg4: memref<3328x128xf32, #tpu.memory_space<hbm>>, %arg5: memref<104xi32, #tpu.memory_space<vmem>>, %arg6: memref<104x128xf32, #tpu.memory_space<vmem>>, %arg7: memref<!tpu.dma_semaphore, #tpu.memory_space<semaphore_mem>>, %arg8: memref<!tpu.dma_semaphore, #tpu.memory_space<semaphore_mem>>, %arg9: memref<!tpu.dma_semaphore, #tpu.memory_space<semaphore_mem>>) attributes {dimension_semantics = [#tpu.dimension_semantics<core_parallel>, #tpu.dimension_semantics<subcore_parallel>], iteration_bounds = array<i64: 2, 16>, scalar_prefetch = 0 : i64, scratch_operands = 5 : i64, tpu.core_type = #tpu.core_type<sc_vector_subcore>, window_params = [{transform_indices = #map}, {transform_indices = #map1}, {transform_indices = #map}]} {
    %mul3A = arith.constant 2 : i32
    %mul3A_0 = arith.muli %arg1, %mul3A : i32
    %add3A = arith.addi %mul3A_0, %arg0 : i32
    %mul3A_1 = arith.constant 104 : i32
    %mul3A_2 = arith.muli %add3A, %mul3A_1 : i32
    "tpu.region"() ({
      %run_scoped3A = tpu.sem_alloc : memref<!tpu.dma_semaphore, #tpu.memory_space<semaphore_mem>>
      %dma_start3A_55 = tpu.memref_slice %arg3[%mul3A_2] : memref<3328xi32, #tpu.memory_space<hbm>> -> memref<104xi32, #tpu.memory_space<hbm>>
      %dma_start3A_56 = tpu.memref_slice %arg3[%mul3A_2] : memref<3328xi32, #tpu.memory_space<hbm>> -> memref<104xi32, #tpu.memory_space<hbm>>
      tpu.enqueue_dma source(%dma_start3A_56 : memref<104xi32, #tpu.memory_space<hbm>>) target(%arg5 : memref<104xi32, #tpu.memory_space<vmem>>) target_semaphore(%run_scoped3A : memref<!tpu.dma_semaphore, #tpu.memory_space<semaphore_mem>>)
      %dma_wait3A_57 = tpu.memref_slice %arg3[%mul3A_2] : memref<3328xi32, #tpu.memory_space<hbm>> -> memref<104xi32, #tpu.memory_space<hbm>>
      %dma_wait3A_58 = tpu.memref_slice %arg3[%mul3A_2] : memref<3328xi32, #tpu.memory_space<hbm>> -> memref<104xi32, #tpu.memory_space<hbm>>
      tpu.wait_dma2 semaphore(%run_scoped3A : memref<!tpu.dma_semaphore, #tpu.memory_space<semaphore_mem>>) src(%dma_wait3A_58 : memref<104xi32, #tpu.memory_space<hbm>>) dst(%arg5 : memref<104xi32, #tpu.memory_space<vmem>>)
      tpu.yield
    }) : () -> ()
    %dma_start3A = arith.constant 0 : i32
    %dma_start3A_3 = arith.constant 0 : i32
    %dma_start3A_4 = tpu.memref_slice %arg6[%dma_start3A, %dma_start3A_3] : memref<104x128xf32, #tpu.memory_space<vmem>> -> memref<56x128xf32, #tpu.memory_space<vmem>>
    %dma_start3A_5 = arith.constant 0 : i32
    %dma_start3A_6 = tpu.memref_slice %arg5[%dma_start3A_5] : memref<104xi32, #tpu.memory_space<vmem>> -> memref<56xi32, #tpu.memory_space<vmem>>
    %dma_start3A_7 = arith.constant 0 : i32
    %dma_start3A_8 = arith.constant 0 : i32
    %dma_start3A_9 = tpu.memref_slice %arg2[%dma_start3A_7, %dma_start3A_8] : memref<8192x128xf32, #tpu.memory_space<hbm>> -> memref<8192x128xf32, #tpu.memory_space<hbm>>
    tpu.enqueue_indirect_dma source(%dma_start3A_9 : memref<8192x128xf32, #tpu.memory_space<hbm>>) target(%dma_start3A_4 : memref<56x128xf32, #tpu.memory_space<vmem>>) offsets(%dma_start3A_6 : memref<56xi32, #tpu.memory_space<vmem>>) semaphore(%arg7 : memref<!tpu.dma_semaphore, #tpu.memory_space<semaphore_mem>>)
    %dma_start3A_10 = arith.constant 56 : i32
    %dma_start3A_11 = arith.constant 0 : i32
    %dma_start3A_12 = tpu.memref_slice %arg6[%dma_start3A_10, %dma_start3A_11] : memref<104x128xf32, #tpu.memory_space<vmem>> -> memref<48x128xf32, #tpu.memory_space<vmem>>
    %dma_start3A_13 = arith.constant 56 : i32
    %dma_start3A_14 = tpu.memref_slice %arg5[%dma_start3A_13] : memref<104xi32, #tpu.memory_space<vmem>> -> memref<48xi32, #tpu.memory_space<vmem>>
    %dma_start3A_15 = arith.constant 0 : i32
    %dma_start3A_16 = arith.constant 0 : i32
    %dma_start3A_17 = tpu.memref_slice %arg2[%dma_start3A_15, %dma_start3A_16] : memref<8192x128xf32, #tpu.memory_space<hbm>> -> memref<8192x128xf32, #tpu.memory_space<hbm>>
    tpu.enqueue_indirect_dma source(%dma_start3A_17 : memref<8192x128xf32, #tpu.memory_space<hbm>>) target(%dma_start3A_12 : memref<48x128xf32, #tpu.memory_space<vmem>>) offsets(%dma_start3A_14 : memref<48xi32, #tpu.memory_space<vmem>>) semaphore(%arg8 : memref<!tpu.dma_semaphore, #tpu.memory_space<semaphore_mem>>)
    %dma_wait3A = arith.constant 0 : i32
    %dma_wait3A_18 = arith.constant 0 : i32
    %dma_wait3A_19 = tpu.memref_slice %arg6[%dma_wait3A, %dma_wait3A_18] : memref<104x128xf32, #tpu.memory_space<vmem>> -> memref<56x128xf32, #tpu.memory_space<vmem>>
    %dma_wait3A_20 = arith.constant 0 : i32
    %dma_wait3A_21 = tpu.memref_slice %arg5[%dma_wait3A_20] : memref<104xi32, #tpu.memory_space<vmem>> -> memref<56xi32, #tpu.memory_space<vmem>>
    %dma_wait3A_22 = arith.constant 0 : i32
    %dma_wait3A_23 = arith.constant 0 : i32
    %dma_wait3A_24 = tpu.memref_slice %arg2[%dma_wait3A_22, %dma_wait3A_23] : memref<8192x128xf32, #tpu.memory_space<hbm>> -> memref<8192x128xf32, #tpu.memory_space<hbm>>
    tpu.wait_indirect_dma semaphore(%arg7 : memref<!tpu.dma_semaphore, #tpu.memory_space<semaphore_mem>>) src(%dma_wait3A_24 : memref<8192x128xf32, #tpu.memory_space<hbm>>) dst(%dma_wait3A_19 : memref<56x128xf32, #tpu.memory_space<vmem>>)
    %dma_start3A_25 = arith.constant 0 : i32
    %dma_start3A_26 = arith.constant 0 : i32
    %dma_start3A_27 = tpu.memref_slice %arg6[%dma_start3A_25, %dma_start3A_26] : memref<104x128xf32, #tpu.memory_space<vmem>> -> memref<56x128xf32, #tpu.memory_space<vmem>>
    %dma_start3A_28 = arith.constant 0 : i32
    %dma_start3A_29 = tpu.memref_slice %arg4[%mul3A_2, %dma_start3A_28] : memref<3328x128xf32, #tpu.memory_space<hbm>> -> memref<56x128xf32, #tpu.memory_space<hbm>>
    %dma_start3A_30 = arith.constant 0 : i32
    %dma_start3A_31 = tpu.memref_slice %arg4[%mul3A_2, %dma_start3A_30] : memref<3328x128xf32, #tpu.memory_space<hbm>> -> memref<56x128xf32, #tpu.memory_space<hbm>>
    %dma_start3A_32 = arith.constant 0 : i32
    %dma_start3A_33 = arith.constant 0 : i32
    %dma_start3A_34 = tpu.memref_slice %arg6[%dma_start3A_32, %dma_start3A_33] : memref<104x128xf32, #tpu.memory_space<vmem>> -> memref<56x128xf32, #tpu.memory_space<vmem>>
    tpu.enqueue_dma source(%dma_start3A_34 : memref<56x128xf32, #tpu.memory_space<vmem>>) target(%dma_start3A_31 : memref<56x128xf32, #tpu.memory_space<hbm>>) target_semaphore(%arg9 : memref<!tpu.dma_semaphore, #tpu.memory_space<semaphore_mem>>)
    %dma_wait3A_35 = arith.constant 56 : i32
    %dma_wait3A_36 = arith.constant 0 : i32
    %dma_wait3A_37 = tpu.memref_slice %arg6[%dma_wait3A_35, %dma_wait3A_36] : memref<104x128xf32, #tpu.memory_space<vmem>> -> memref<48x128xf32, #tpu.memory_space<vmem>>
    %dma_wait3A_38 = arith.constant 56 : i32
    %dma_wait3A_39 = tpu.memref_slice %arg5[%dma_wait3A_38] : memref<104xi32, #tpu.memory_space<vmem>> -> memref<48xi32, #tpu.memory_space<vmem>>
    %dma_wait3A_40 = arith.constant 0 : i32
    %dma_wait3A_41 = arith.constant 0 : i32
    %dma_wait3A_42 = tpu.memref_slice %arg2[%dma_wait3A_40, %dma_wait3A_41] : memref<8192x128xf32, #tpu.memory_space<hbm>> -> memref<8192x128xf32, #tpu.memory_space<hbm>>
    tpu.wait_indirect_dma semaphore(%arg8 : memref<!tpu.dma_semaphore, #tpu.memory_space<semaphore_mem>>) src(%dma_wait3A_42 : memref<8192x128xf32, #tpu.memory_space<hbm>>) dst(%dma_wait3A_37 : memref<48x128xf32, #tpu.memory_space<vmem>>)
    %add3A_43 = arith.constant 56 : i32
    %add3A_44 = arith.addi %mul3A_2, %add3A_43 : i32
    "tpu.region"() ({
      %run_scoped3A = tpu.sem_alloc : memref<!tpu.dma_semaphore, #tpu.memory_space<semaphore_mem>>
      %dma_start3A_55 = arith.constant 56 : i32
      %dma_start3A_56 = arith.constant 0 : i32
      %dma_start3A_57 = tpu.memref_slice %arg6[%dma_start3A_55, %dma_start3A_56] : memref<104x128xf32, #tpu.memory_space<vmem>> -> memref<48x128xf32, #tpu.memory_space<vmem>>
      %dma_start3A_58 = arith.constant 0 : i32
      %dma_start3A_59 = tpu.memref_slice %arg4[%add3A_44, %dma_start3A_58] : memref<3328x128xf32, #tpu.memory_space<hbm>> -> memref<48x128xf32, #tpu.memory_space<hbm>>
      %dma_start3A_60 = arith.constant 0 : i32
      %dma_start3A_61 = tpu.memref_slice %arg4[%add3A_44, %dma_start3A_60] : memref<3328x128xf32, #tpu.memory_space<hbm>> -> memref<48x128xf32, #tpu.memory_space<hbm>>
      %dma_start3A_62 = arith.constant 56 : i32
      %dma_start3A_63 = arith.constant 0 : i32
      %dma_start3A_64 = tpu.memref_slice %arg6[%dma_start3A_62, %dma_start3A_63] : memref<104x128xf32, #tpu.memory_space<vmem>> -> memref<48x128xf32, #tpu.memory_space<vmem>>
      tpu.enqueue_dma source(%dma_start3A_64 : memref<48x128xf32, #tpu.memory_space<vmem>>) target(%dma_start3A_61 : memref<48x128xf32, #tpu.memory_space<hbm>>) target_semaphore(%run_scoped3A : memref<!tpu.dma_semaphore, #tpu.memory_space<semaphore_mem>>)
      %dma_wait3A_65 = arith.constant 56 : i32
      %dma_wait3A_66 = arith.constant 0 : i32
      %dma_wait3A_67 = tpu.memref_slice %arg6[%dma_wait3A_65, %dma_wait3A_66] : memref<104x128xf32, #tpu.memory_space<vmem>> -> memref<48x128xf32, #tpu.memory_space<vmem>>
      %dma_wait3A_68 = arith.constant 0 : i32
      %dma_wait3A_69 = tpu.memref_slice %arg4[%add3A_44, %dma_wait3A_68] : memref<3328x128xf32, #tpu.memory_space<hbm>> -> memref<48x128xf32, #tpu.memory_space<hbm>>
      %dma_wait3A_70 = arith.constant 0 : i32
      %dma_wait3A_71 = tpu.memref_slice %arg4[%add3A_44, %dma_wait3A_70] : memref<3328x128xf32, #tpu.memory_space<hbm>> -> memref<48x128xf32, #tpu.memory_space<hbm>>
      %dma_wait3A_72 = arith.constant 56 : i32
      %dma_wait3A_73 = arith.constant 0 : i32
      %dma_wait3A_74 = tpu.memref_slice %arg6[%dma_wait3A_72, %dma_wait3A_73] : memref<104x128xf32, #tpu.memory_space<vmem>> -> memref<48x128xf32, #tpu.memory_space<vmem>>
      tpu.wait_dma2 semaphore(%run_scoped3A : memref<!tpu.dma_semaphore, #tpu.memory_space<semaphore_mem>>) src(%dma_wait3A_74 : memref<48x128xf32, #tpu.memory_space<vmem>>) dst(%dma_wait3A_71 : memref<48x128xf32, #tpu.memory_space<hbm>>)
      tpu.yield
    }) : () -> ()
    %dma_wait3A_45 = arith.constant 0 : i32
    %dma_wait3A_46 = arith.constant 0 : i32
    %dma_wait3A_47 = tpu.memref_slice %arg6[%dma_wait3A_45, %dma_wait3A_46] : memref<104x128xf32, #tpu.memory_space<vmem>> -> memref<56x128xf32, #tpu.memory_space<vmem>>
    %dma_wait3A_48 = arith.constant 0 : i32
    %dma_wait3A_49 = tpu.memref_slice %arg4[%mul3A_2, %dma_wait3A_48] : memref<3328x128xf32, #tpu.memory_space<hbm>> -> memref<56x128xf32, #tpu.memory_space<hbm>>
    %dma_wait3A_50 = arith.constant 0 : i32
    %dma_wait3A_51 = tpu.memref_slice %arg4[%mul3A_2, %dma_wait3A_50] : memref<3328x128xf32, #tpu.memory_space<hbm>> -> memref<56x128xf32, #tpu.memory_space<hbm>>
    %dma_wait3A_52 = arith.constant 0 : i32
    %dma_wait3A_53 = arith.constant 0 : i32
    %dma_wait3A_54 = tpu.memref_slice %arg6[%dma_wait3A_52, %dma_wait3A_53] : memref<104x128xf32, #tpu.memory_space<vmem>> -> memref<56x128xf32, #tpu.memory_space<vmem>>
    tpu.wait_dma2 semaphore(%arg9 : memref<!tpu.dma_semaphore, #tpu.memory_space<semaphore_mem>>) src(%dma_wait3A_54 : memref<56x128xf32, #tpu.memory_space<vmem>>) dst(%dma_wait3A_51 : memref<56x128xf32, #tpu.memory_space<hbm>>)
    return
  }
}

module attributes {stable_mosaic.version = 14 : i64} {
  func.func @add_body(%arg0: i32, %arg1: memref<3328x128xf32, #tpu.memory_space<vmem>>, %arg2: memref<16x196x200x128xf32, #tpu.memory_space<any>>, %arg3: memref<16x196x200x128xf32, #tpu.memory_space<any>>, %arg4: memref<3x16x4x200x128xf32, #tpu.memory_space<vmem>>, %arg5: memref<3x16x4x200x128xf32, #tpu.memory_space<vmem>>, %arg6: memref<3x!tpu.dma_semaphore, #tpu.memory_space<semaphore_mem>>, %arg7: memref<3x!tpu.dma_semaphore, #tpu.memory_space<semaphore_mem>>) attributes {dimension_semantics = [#tpu.dimension_semantics<arbitrary>], iteration_bounds = array<i64: 49>, scalar_prefetch = 0 : i64, scratch_operands = 4 : i64, tpu.core_type = #tpu.core_type<tc>, window_params = [{pipeline_mode = #tpu.pipeline_mode<synchronous>, transform_indices = @transform_0, window_bounds = array<i64: 3328, 128>}, {}, {}]} {
    %eq3A = arith.constant 0 : i32
    %eq3A_0 = arith.cmpi eq, %arg0, %eq3A : i32
    %convert_element_type3A = arith.extui %eq3A_0 : i1 to i32
    %cond3A = arith.constant 0 : i32
    %cond3A_1 = arith.cmpi ne, %convert_element_type3A, %cond3A : i32
    scf.if %cond3A_1 {
      %dma_start3A_60 = arith.constant 0 : i32
      %dma_start3A_61 = arith.constant 0 : i32
      %dma_start3A_62 = tpu.memref_slice %arg6[%dma_start3A_61] : memref<3x!tpu.dma_semaphore, #tpu.memory_space<semaphore_mem>> -> memref<1x!tpu.dma_semaphore, #tpu.memory_space<semaphore_mem>>
      %dma_start3A_63 = tpu.memref_squeeze %dma_start3A_62 : memref<1x!tpu.dma_semaphore, #tpu.memory_space<semaphore_mem>> -> memref<!tpu.dma_semaphore, #tpu.memory_space<semaphore_mem>>
      %dma_start3A_64 = arith.constant 0 : i32
      %dma_start3A_65 = arith.constant 0 : i32
      %dma_start3A_66 = arith.constant 0 : i32
      %dma_start3A_67 = arith.constant 0 : i32
      %dma_start3A_68 = tpu.memref_slice %arg4[%dma_start3A_60, %dma_start3A_64, %dma_start3A_65, %dma_start3A_66, %dma_start3A_67] : memref<3x16x4x200x128xf32, #tpu.memory_space<vmem>> -> memref<1x16x4x200x128xf32, #tpu.memory_space<vmem>>
      %dma_start3A_69 = tpu.memref_squeeze %dma_start3A_68 : memref<1x16x4x200x128xf32, #tpu.memory_space<vmem>> -> memref<16x4x200x128xf32, #tpu.memory_space<vmem>>
      %dma_start3A_70 = arith.constant 0 : i32
      %dma_start3A_71 = arith.constant 0 : i32
      %dma_start3A_72 = arith.constant 0 : i32
      %dma_start3A_73 = arith.constant 0 : i32
      %dma_start3A_74 = tpu.memref_slice %arg2[%dma_start3A_70, %dma_start3A_71, %dma_start3A_72, %dma_start3A_73] : memref<16x196x200x128xf32, #tpu.memory_space<any>> -> memref<16x4x200x128xf32, #tpu.memory_space<any>>
      tpu.enqueue_dma source(%dma_start3A_74 : memref<16x4x200x128xf32, #tpu.memory_space<any>>) target(%dma_start3A_69 : memref<16x4x200x128xf32, #tpu.memory_space<vmem>>) target_semaphore(%dma_start3A_63 : memref<!tpu.dma_semaphore, #tpu.memory_space<semaphore_mem>>)
      %dma_start3A_75 = arith.constant 1 : i32
      %dma_start3A_76 = arith.constant 1 : i32
      %dma_start3A_77 = tpu.memref_slice %arg6[%dma_start3A_76] : memref<3x!tpu.dma_semaphore, #tpu.memory_space<semaphore_mem>> -> memref<1x!tpu.dma_semaphore, #tpu.memory_space<semaphore_mem>>
      %dma_start3A_78 = tpu.memref_squeeze %dma_start3A_77 : memref<1x!tpu.dma_semaphore, #tpu.memory_space<semaphore_mem>> -> memref<!tpu.dma_semaphore, #tpu.memory_space<semaphore_mem>>
      %dma_start3A_79 = arith.constant 0 : i32
      %dma_start3A_80 = arith.constant 0 : i32
      %dma_start3A_81 = arith.constant 0 : i32
      %dma_start3A_82 = arith.constant 0 : i32
      %dma_start3A_83 = tpu.memref_slice %arg4[%dma_start3A_75, %dma_start3A_79, %dma_start3A_80, %dma_start3A_81, %dma_start3A_82] : memref<3x16x4x200x128xf32, #tpu.memory_space<vmem>> -> memref<1x16x4x200x128xf32, #tpu.memory_space<vmem>>
      %dma_start3A_84 = tpu.memref_squeeze %dma_start3A_83 : memref<1x16x4x200x128xf32, #tpu.memory_space<vmem>> -> memref<16x4x200x128xf32, #tpu.memory_space<vmem>>
      %dma_start3A_85 = arith.constant 0 : i32
      %dma_start3A_86 = arith.constant 4 : i32
      %dma_start3A_87 = arith.constant 0 : i32
      %dma_start3A_88 = arith.constant 0 : i32
      %dma_start3A_89 = tpu.memref_slice %arg2[%dma_start3A_85, %dma_start3A_86, %dma_start3A_87, %dma_start3A_88] : memref<16x196x200x128xf32, #tpu.memory_space<any>> -> memref<16x4x200x128xf32, #tpu.memory_space<any>>
      tpu.enqueue_dma source(%dma_start3A_89 : memref<16x4x200x128xf32, #tpu.memory_space<any>>) target(%dma_start3A_84 : memref<16x4x200x128xf32, #tpu.memory_space<vmem>>) target_semaphore(%dma_start3A_78 : memref<!tpu.dma_semaphore, #tpu.memory_space<semaphore_mem>>)
      %dma_start3A_90 = arith.constant 2 : i32
      %dma_start3A_91 = arith.constant 2 : i32
      %dma_start3A_92 = tpu.memref_slice %arg6[%dma_start3A_91] : memref<3x!tpu.dma_semaphore, #tpu.memory_space<semaphore_mem>> -> memref<1x!tpu.dma_semaphore, #tpu.memory_space<semaphore_mem>>
      %dma_start3A_93 = tpu.memref_squeeze %dma_start3A_92 : memref<1x!tpu.dma_semaphore, #tpu.memory_space<semaphore_mem>> -> memref<!tpu.dma_semaphore, #tpu.memory_space<semaphore_mem>>
      %dma_start3A_94 = arith.constant 0 : i32
      %dma_start3A_95 = arith.constant 0 : i32
      %dma_start3A_96 = arith.constant 0 : i32
      %dma_start3A_97 = arith.constant 0 : i32
      %dma_start3A_98 = tpu.memref_slice %arg4[%dma_start3A_90, %dma_start3A_94, %dma_start3A_95, %dma_start3A_96, %dma_start3A_97] : memref<3x16x4x200x128xf32, #tpu.memory_space<vmem>> -> memref<1x16x4x200x128xf32, #tpu.memory_space<vmem>>
      %dma_start3A_99 = tpu.memref_squeeze %dma_start3A_98 : memref<1x16x4x200x128xf32, #tpu.memory_space<vmem>> -> memref<16x4x200x128xf32, #tpu.memory_space<vmem>>
      %dma_start3A_100 = arith.constant 0 : i32
      %dma_start3A_101 = arith.constant 8 : i32
      %dma_start3A_102 = arith.constant 0 : i32
      %dma_start3A_103 = arith.constant 0 : i32
      %dma_start3A_104 = tpu.memref_slice %arg2[%dma_start3A_100, %dma_start3A_101, %dma_start3A_102, %dma_start3A_103] : memref<16x196x200x128xf32, #tpu.memory_space<any>> -> memref<16x4x200x128xf32, #tpu.memory_space<any>>
      tpu.enqueue_dma source(%dma_start3A_104 : memref<16x4x200x128xf32, #tpu.memory_space<any>>) target(%dma_start3A_99 : memref<16x4x200x128xf32, #tpu.memory_space<vmem>>) target_semaphore(%dma_start3A_93 : memref<!tpu.dma_semaphore, #tpu.memory_space<semaphore_mem>>)
    } else {
    }
    %rem3A = arith.constant 3 : i32
    %rem3A_2 = arith.remsi %arg0, %rem3A : i32
    %mul3A = arith.constant 4 : i32
    %mul3A_3 = arith.muli %arg0, %mul3A : i32
    %dma_wait3A = tpu.memref_slice %arg6[%rem3A_2] : memref<3x!tpu.dma_semaphore, #tpu.memory_space<semaphore_mem>> -> memref<1x!tpu.dma_semaphore, #tpu.memory_space<semaphore_mem>>
    %dma_wait3A_4 = tpu.memref_squeeze %dma_wait3A : memref<1x!tpu.dma_semaphore, #tpu.memory_space<semaphore_mem>> -> memref<!tpu.dma_semaphore, #tpu.memory_space<semaphore_mem>>
    %dma_wait3A_5 = arith.constant 0 : i32
    %dma_wait3A_6 = arith.constant 0 : i32
    %dma_wait3A_7 = arith.constant 0 : i32
    %dma_wait3A_8 = arith.constant 0 : i32
    %dma_wait3A_9 = tpu.memref_slice %arg4[%rem3A_2, %dma_wait3A_5, %dma_wait3A_6, %dma_wait3A_7, %dma_wait3A_8] : memref<3x16x4x200x128xf32, #tpu.memory_space<vmem>> -> memref<1x16x4x200x128xf32, #tpu.memory_space<vmem>>
    %dma_wait3A_10 = tpu.memref_squeeze %dma_wait3A_9 : memref<1x16x4x200x128xf32, #tpu.memory_space<vmem>> -> memref<16x4x200x128xf32, #tpu.memory_space<vmem>>
    %dma_wait3A_11 = arith.constant 0 : i32
    %dma_wait3A_12 = arith.constant 0 : i32
    %dma_wait3A_13 = arith.constant 0 : i32
    %dma_wait3A_14 = tpu.memref_slice %arg2[%dma_wait3A_11, %mul3A_3, %dma_wait3A_12, %dma_wait3A_13] : memref<16x196x200x128xf32, #tpu.memory_space<any>> -> memref<16x4x200x128xf32, #tpu.memory_space<any>>
    tpu.wait_dma2 semaphore(%dma_wait3A_4 : memref<!tpu.dma_semaphore, #tpu.memory_space<semaphore_mem>>) src(%dma_wait3A_14 : memref<16x4x200x128xf32, #tpu.memory_space<any>>) dst(%dma_wait3A_10 : memref<16x4x200x128xf32, #tpu.memory_space<vmem>>)
    %ge3A = arith.constant 3 : i32
    %ge3A_15 = arith.cmpi sge, %arg0, %ge3A : i32
    %convert_element_type3A_16 = arith.extui %ge3A_15 : i1 to i32
    %cond3A_17 = arith.constant 0 : i32
    %cond3A_18 = arith.cmpi ne, %convert_element_type3A_16, %cond3A_17 : i32
    scf.if %cond3A_18 {
      %sub3A = arith.constant 3 : i32
      %sub3A_60 = arith.subi %arg0, %sub3A : i32
      %mul3A_61 = arith.constant 4 : i32
      %mul3A_62 = arith.muli %sub3A_60, %mul3A_61 : i32
      %dma_wait3A_63 = tpu.memref_slice %arg7[%rem3A_2] : memref<3x!tpu.dma_semaphore, #tpu.memory_space<semaphore_mem>> -> memref<1x!tpu.dma_semaphore, #tpu.memory_space<semaphore_mem>>
      %dma_wait3A_64 = tpu.memref_squeeze %dma_wait3A_63 : memref<1x!tpu.dma_semaphore, #tpu.memory_space<semaphore_mem>> -> memref<!tpu.dma_semaphore, #tpu.memory_space<semaphore_mem>>
      %dma_wait3A_65 = arith.constant 0 : i32
      %dma_wait3A_66 = arith.constant 0 : i32
      %dma_wait3A_67 = arith.constant 0 : i32
      %dma_wait3A_68 = tpu.memref_slice %arg3[%dma_wait3A_65, %mul3A_62, %dma_wait3A_66, %dma_wait3A_67] : memref<16x196x200x128xf32, #tpu.memory_space<any>> -> memref<16x4x200x128xf32, #tpu.memory_space<any>>
      %dma_wait3A_69 = arith.constant 0 : i32
      %dma_wait3A_70 = arith.constant 0 : i32
      %dma_wait3A_71 = arith.constant 0 : i32
      %dma_wait3A_72 = arith.constant 0 : i32
      %dma_wait3A_73 = tpu.memref_slice %arg5[%rem3A_2, %dma_wait3A_69, %dma_wait3A_70, %dma_wait3A_71, %dma_wait3A_72] : memref<3x16x4x200x128xf32, #tpu.memory_space<vmem>> -> memref<1x16x4x200x128xf32, #tpu.memory_space<vmem>>
      %dma_wait3A_74 = tpu.memref_squeeze %dma_wait3A_73 : memref<1x16x4x200x128xf32, #tpu.memory_space<vmem>> -> memref<16x4x200x128xf32, #tpu.memory_space<vmem>>
      tpu.wait_dma2 semaphore(%dma_wait3A_64 : memref<!tpu.dma_semaphore, #tpu.memory_space<semaphore_mem>>) src(%dma_wait3A_74 : memref<16x4x200x128xf32, #tpu.memory_space<vmem>>) dst(%dma_wait3A_68 : memref<16x4x200x128xf32, #tpu.memory_space<any>>)
    } else {
    }
    %get3A = arith.constant 0 : index
    %get3A_19 = arith.constant 0 : index
    %get3A_20 = vector.load %arg1[%get3A, %get3A_19] : memref<3328x128xf32, #tpu.memory_space<vmem>>, vector<3200x128xf32>
    %reshape3A = vector.shape_cast %get3A_20 : vector<3200x128xf32> to vector<16x200x128xf32>
    %get3A_21 = arith.index_cast %rem3A_2 : i32 to index
    %get3A_22 = arith.constant 0 : index
    %get3A_23 = arith.constant 0 : index
    %get3A_24 = arith.constant 0 : index
    %get3A_25 = arith.constant 0 : index
    %get3A_26 = vector.load %arg4[%get3A_21, %get3A_22, %get3A_23, %get3A_24, %get3A_25] : memref<3x16x4x200x128xf32, #tpu.memory_space<vmem>>, vector<1x16x4x200x128xf32>
    %get3A_27 = vector.shape_cast %get3A_26 : vector<1x16x4x200x128xf32> to vector<16x4x200x128xf32>
    %broadcast_in_dim3A = vector.shape_cast %reshape3A : vector<16x200x128xf32> to vector<16x1x200x128xf32>
    %add3A = vector.broadcast %broadcast_in_dim3A : vector<16x1x200x128xf32> to vector<16x4x200x128xf32>
    %add3A_28 = arith.addf %get3A_27, %add3A : vector<16x4x200x128xf32>
    %swap3A = arith.index_cast %rem3A_2 : i32 to index
    %swap3A_29 = arith.constant 0 : index
    %swap3A_30 = arith.constant 0 : index
    %swap3A_31 = arith.constant 0 : index
    %swap3A_32 = arith.constant 0 : index
    %swap3A_33 = vector.load %arg5[%swap3A, %swap3A_29, %swap3A_30, %swap3A_31, %swap3A_32] : memref<3x16x4x200x128xf32, #tpu.memory_space<vmem>>, vector<1x16x4x200x128xf32>
    %swap3A_34 = vector.shape_cast %swap3A_33 : vector<1x16x4x200x128xf32> to vector<16x4x200x128xf32>
    %swap3A_35 = vector.shape_cast %add3A_28 : vector<16x4x200x128xf32> to vector<1x16x4x200x128xf32>
    tpu.vector_store %arg5[%swap3A, %swap3A_29, %swap3A_30, %swap3A_31, %swap3A_32], %swap3A_35 {strides = array<i32>} : memref<3x16x4x200x128xf32, #tpu.memory_space<vmem>>, vector<1x16x4x200x128xf32>,
    %mul3A_36 = arith.constant 4 : i32
    %mul3A_37 = arith.muli %arg0, %mul3A_36 : i32
    %dma_start3A = tpu.memref_slice %arg7[%rem3A_2] : memref<3x!tpu.dma_semaphore, #tpu.memory_space<semaphore_mem>> -> memref<1x!tpu.dma_semaphore, #tpu.memory_space<semaphore_mem>>
    %dma_start3A_38 = tpu.memref_squeeze %dma_start3A : memref<1x!tpu.dma_semaphore, #tpu.memory_space<semaphore_mem>> -> memref<!tpu.dma_semaphore, #tpu.memory_space<semaphore_mem>>
    %dma_start3A_39 = arith.constant 0 : i32
    %dma_start3A_40 = arith.constant 0 : i32
    %dma_start3A_41 = arith.constant 0 : i32
    %dma_start3A_42 = tpu.memref_slice %arg3[%dma_start3A_39, %mul3A_37, %dma_start3A_40, %dma_start3A_41] : memref<16x196x200x128xf32, #tpu.memory_space<any>> -> memref<16x4x200x128xf32, #tpu.memory_space<any>>
    %dma_start3A_43 = arith.constant 0 : i32
    %dma_start3A_44 = arith.constant 0 : i32
    %dma_start3A_45 = arith.constant 0 : i32
    %dma_start3A_46 = arith.constant 0 : i32
    %dma_start3A_47 = tpu.memref_slice %arg5[%rem3A_2, %dma_start3A_43, %dma_start3A_44, %dma_start3A_45, %dma_start3A_46] : memref<3x16x4x200x128xf32, #tpu.memory_space<vmem>> -> memref<1x16x4x200x128xf32, #tpu.memory_space<vmem>>
    %dma_start3A_48 = tpu.memref_squeeze %dma_start3A_47 : memref<1x16x4x200x128xf32, #tpu.memory_space<vmem>> -> memref<16x4x200x128xf32, #tpu.memory_space<vmem>>
    tpu.enqueue_dma source(%dma_start3A_48 : memref<16x4x200x128xf32, #tpu.memory_space<vmem>>) target(%dma_start3A_42 : memref<16x4x200x128xf32, #tpu.memory_space<any>>) target_semaphore(%dma_start3A_38 : memref<!tpu.dma_semaphore, #tpu.memory_space<semaphore_mem>>)
    %add3A_49 = arith.constant 3 : i32
    %add3A_50 = arith.addi %arg0, %add3A_49 : i32
    %lt3A = arith.constant 49 : i32
    %lt3A_51 = arith.cmpi slt, %add3A_50, %lt3A : i32
    %convert_element_type3A_52 = arith.extui %lt3A_51 : i1 to i32
    %cond3A_53 = arith.constant 0 : i32
    %cond3A_54 = arith.cmpi ne, %convert_element_type3A_52, %cond3A_53 : i32
    scf.if %cond3A_54 {
      %add3A_60 = arith.constant 3 : i32
      %add3A_61 = arith.addi %arg0, %add3A_60 : i32
      %mul3A_62 = arith.constant 4 : i32
      %mul3A_63 = arith.muli %add3A_61, %mul3A_62 : i32
      %dma_start3A_64 = tpu.memref_slice %arg6[%rem3A_2] : memref<3x!tpu.dma_semaphore, #tpu.memory_space<semaphore_mem>> -> memref<1x!tpu.dma_semaphore, #tpu.memory_space<semaphore_mem>>
      %dma_start3A_65 = tpu.memref_squeeze %dma_start3A_64 : memref<1x!tpu.dma_semaphore, #tpu.memory_space<semaphore_mem>> -> memref<!tpu.dma_semaphore, #tpu.memory_space<semaphore_mem>>
      %dma_start3A_66 = arith.constant 0 : i32
      %dma_start3A_67 = arith.constant 0 : i32
      %dma_start3A_68 = arith.constant 0 : i32
      %dma_start3A_69 = arith.constant 0 : i32
      %dma_start3A_70 = tpu.memref_slice %arg4[%rem3A_2, %dma_start3A_66, %dma_start3A_67, %dma_start3A_68, %dma_start3A_69] : memref<3x16x4x200x128xf32, #tpu.memory_space<vmem>> -> memref<1x16x4x200x128xf32, #tpu.memory_space<vmem>>
      %dma_start3A_71 = tpu.memref_squeeze %dma_start3A_70 : memref<1x16x4x200x128xf32, #tpu.memory_space<vmem>> -> memref<16x4x200x128xf32, #tpu.memory_space<vmem>>
      %dma_start3A_72 = arith.constant 0 : i32
      %dma_start3A_73 = arith.constant 0 : i32
      %dma_start3A_74 = arith.constant 0 : i32
      %dma_start3A_75 = tpu.memref_slice %arg2[%dma_start3A_72, %mul3A_63, %dma_start3A_73, %dma_start3A_74] : memref<16x196x200x128xf32, #tpu.memory_space<any>> -> memref<16x4x200x128xf32, #tpu.memory_space<any>>
      tpu.enqueue_dma source(%dma_start3A_75 : memref<16x4x200x128xf32, #tpu.memory_space<any>>) target(%dma_start3A_71 : memref<16x4x200x128xf32, #tpu.memory_space<vmem>>) target_semaphore(%dma_start3A_65 : memref<!tpu.dma_semaphore, #tpu.memory_space<semaphore_mem>>)
    } else {
    }
    %eq3A_55 = arith.constant 48 : i32
    %eq3A_56 = arith.cmpi eq, %arg0, %eq3A_55 : i32
    %convert_element_type3A_57 = arith.extui %eq3A_56 : i1 to i32
    %cond3A_58 = arith.constant 0 : i32
    %cond3A_59 = arith.cmpi ne, %convert_element_type3A_57, %cond3A_58 : i32
    scf.if %cond3A_59 {
      %dma_wait3A_60 = arith.constant 1 : i32
      %dma_wait3A_61 = arith.constant 1 : i32
      %dma_wait3A_62 = tpu.memref_slice %arg7[%dma_wait3A_61] : memref<3x!tpu.dma_semaphore, #tpu.memory_space<semaphore_mem>> -> memref<1x!tpu.dma_semaphore, #tpu.memory_space<semaphore_mem>>
      %dma_wait3A_63 = tpu.memref_squeeze %dma_wait3A_62 : memref<1x!tpu.dma_semaphore, #tpu.memory_space<semaphore_mem>> -> memref<!tpu.dma_semaphore, #tpu.memory_space<semaphore_mem>>
      %dma_wait3A_64 = arith.constant 0 : i32
      %dma_wait3A_65 = arith.constant 184 : i32
      %dma_wait3A_66 = arith.constant 0 : i32
      %dma_wait3A_67 = arith.constant 0 : i32
      %dma_wait3A_68 = tpu.memref_slice %arg3[%dma_wait3A_64, %dma_wait3A_65, %dma_wait3A_66, %dma_wait3A_67] : memref<16x196x200x128xf32, #tpu.memory_space<any>> -> memref<16x4x200x128xf32, #tpu.memory_space<any>>
      %dma_wait3A_69 = arith.constant 0 : i32
      %dma_wait3A_70 = arith.constant 0 : i32
      %dma_wait3A_71 = arith.constant 0 : i32
      %dma_wait3A_72 = arith.constant 0 : i32
      %dma_wait3A_73 = tpu.memref_slice %arg5[%dma_wait3A_60, %dma_wait3A_69, %dma_wait3A_70, %dma_wait3A_71, %dma_wait3A_72] : memref<3x16x4x200x128xf32, #tpu.memory_space<vmem>> -> memref<1x16x4x200x128xf32, #tpu.memory_space<vmem>>
      %dma_wait3A_74 = tpu.memref_squeeze %dma_wait3A_73 : memref<1x16x4x200x128xf32, #tpu.memory_space<vmem>> -> memref<16x4x200x128xf32, #tpu.memory_space<vmem>>
      tpu.wait_dma2 semaphore(%dma_wait3A_63 : memref<!tpu.dma_semaphore, #tpu.memory_space<semaphore_mem>>) src(%dma_wait3A_74 : memref<16x4x200x128xf32, #tpu.memory_space<vmem>>) dst(%dma_wait3A_68 : memref<16x4x200x128xf32, #tpu.memory_space<any>>)
      %dma_wait3A_75 = arith.constant 2 : i32
      %dma_wait3A_76 = arith.constant 2 : i32
      %dma_wait3A_77 = tpu.memref_slice %arg7[%dma_wait3A_76] : memref<3x!tpu.dma_semaphore, #tpu.memory_space<semaphore_mem>> -> memref<1x!tpu.dma_semaphore, #tpu.memory_space<semaphore_mem>>
      %dma_wait3A_78 = tpu.memref_squeeze %dma_wait3A_77 : memref<1x!tpu.dma_semaphore, #tpu.memory_space<semaphore_mem>> -> memref<!tpu.dma_semaphore, #tpu.memory_space<semaphore_mem>>
      %dma_wait3A_79 = arith.constant 0 : i32
      %dma_wait3A_80 = arith.constant 188 : i32
      %dma_wait3A_81 = arith.constant 0 : i32
      %dma_wait3A_82 = arith.constant 0 : i32
      %dma_wait3A_83 = tpu.memref_slice %arg3[%dma_wait3A_79, %dma_wait3A_80, %dma_wait3A_81, %dma_wait3A_82] : memref<16x196x200x128xf32, #tpu.memory_space<any>> -> memref<16x4x200x128xf32, #tpu.memory_space<any>>
      %dma_wait3A_84 = arith.constant 0 : i32
      %dma_wait3A_85 = arith.constant 0 : i32
      %dma_wait3A_86 = arith.constant 0 : i32
      %dma_wait3A_87 = arith.constant 0 : i32
      %dma_wait3A_88 = tpu.memref_slice %arg5[%dma_wait3A_75, %dma_wait3A_84, %dma_wait3A_85, %dma_wait3A_86, %dma_wait3A_87] : memref<3x16x4x200x128xf32, #tpu.memory_space<vmem>> -> memref<1x16x4x200x128xf32, #tpu.memory_space<vmem>>
      %dma_wait3A_89 = tpu.memref_squeeze %dma_wait3A_88 : memref<1x16x4x200x128xf32, #tpu.memory_space<vmem>> -> memref<16x4x200x128xf32, #tpu.memory_space<vmem>>
      tpu.wait_dma2 semaphore(%dma_wait3A_78 : memref<!tpu.dma_semaphore, #tpu.memory_space<semaphore_mem>>) src(%dma_wait3A_89 : memref<16x4x200x128xf32, #tpu.memory_space<vmem>>) dst(%dma_wait3A_83 : memref<16x4x200x128xf32, #tpu.memory_space<any>>)
      %dma_wait3A_90 = arith.constant 0 : i32
      %dma_wait3A_91 = arith.constant 0 : i32
      %dma_wait3A_92 = tpu.memref_slice %arg7[%dma_wait3A_91] : memref<3x!tpu.dma_semaphore, #tpu.memory_space<semaphore_mem>> -> memref<1x!tpu.dma_semaphore, #tpu.memory_space<semaphore_mem>>
      %dma_wait3A_93 = tpu.memref_squeeze %dma_wait3A_92 : memref<1x!tpu.dma_semaphore, #tpu.memory_space<semaphore_mem>> -> memref<!tpu.dma_semaphore, #tpu.memory_space<semaphore_mem>>
      %dma_wait3A_94 = arith.constant 0 : i32
      %dma_wait3A_95 = arith.constant 192 : i32
      %dma_wait3A_96 = arith.constant 0 : i32
      %dma_wait3A_97 = arith.constant 0 : i32
      %dma_wait3A_98 = tpu.memref_slice %arg3[%dma_wait3A_94, %dma_wait3A_95, %dma_wait3A_96, %dma_wait3A_97] : memref<16x196x200x128xf32, #tpu.memory_space<any>> -> memref<16x4x200x128xf32, #tpu.memory_space<any>>
      %dma_wait3A_99 = arith.constant 0 : i32
      %dma_wait3A_100 = arith.constant 0 : i32
      %dma_wait3A_101 = arith.constant 0 : i32
      %dma_wait3A_102 = arith.constant 0 : i32
      %dma_wait3A_103 = tpu.memref_slice %arg5[%dma_wait3A_90, %dma_wait3A_99, %dma_wait3A_100, %dma_wait3A_101, %dma_wait3A_102] : memref<3x16x4x200x128xf32, #tpu.memory_space<vmem>> -> memref<1x16x4x200x128xf32, #tpu.memory_space<vmem>>
      %dma_wait3A_104 = tpu.memref_squeeze %dma_wait3A_103 : memref<1x16x4x200x128xf32, #tpu.memory_space<vmem>> -> memref<16x4x200x128xf32, #tpu.memory_space<vmem>>
      tpu.wait_dma2 semaphore(%dma_wait3A_93 : memref<!tpu.dma_semaphore, #tpu.memory_space<semaphore_mem>>) src(%dma_wait3A_104 : memref<16x4x200x128xf32, #tpu.memory_space<vmem>>) dst(%dma_wait3A_98 : memref<16x4x200x128xf32, #tpu.memory_space<any>>)
    } else {
    }
    return
  }
  func.func @transform_0(%arg0: i32) -> (i32, i32) {
    %c0_i32 = arith.constant 0 : i32
    %c0_i32_0 = arith.constant 0 : i32
    %c0_i32_1 = arith.constant 0 : i32
    return %c0_i32, %c0_i32_0 : i32, i32
  }
}

</mosaic_0001>

<sc_bundles>
// kernel: kernel.4.cloned.1.call-start
scs
__scs_entry_jumppad:
0x0: {  	(pc) =	sbr.rel $0x88, $3  }
0x1: {  	(tag) =	ssettag $0x0;
	lr =	simm.s32 $0x1  }
0x2: {  	[smem:$0x3F9E] =	sst lr;
	_ =	strace $0xD0000000  }
0x3: {  	_ = 	snop  }
0x4: {  	_ = 	snop  }
0x5: {  	_ = 	snop  }
0x6: {  	_ = 	snop  }
0x7: {  	_ = 	snop  }
__scs_overlays_trampoline_lowered:
0x8: {  	[smem:$0x3FAD] =	sst s0  }
0x9: {  	[smem:$0x3FAE] =	sst s1  }
0xa: {  	[smem:$0x3FAF] =	sst s2  }
0xb: {  	[smem:$0x3FB0] =	sst s3  }
0xc: {  	[smem:$0x3FB1] =	sst s4  }
0xd: {  	[smem:$0x3FB2] =	sst s5  }
0xe: {  	[smem:$0x3FB3] =	sst s6  }
0xf: {  	[smem:$0x3FB4] =	sst s7  }
0x10: {  	[smem:$0x3FB5] =	sst s8  }
0x11: {  	[smem:$0x3FB6] =	sst s9;
	s0 =	simm.s32 @!p0 $0x0  }
0x12: {  	s1 =	sld [smem:$0x3F9C];
	s0 =	simm.s32 @p0 $0x1  }
0x13: {  	[smem:$0x3FB7] =	sst s0;
	s0 =	simm.s32 @!p1 $0x0  }
0x14: {  	s2 =	sld [smem:$0x3F9B];
	s0 =	simm.s32 @p1 $0x1  }
0x15: {  	[smem:$0x3FB8] =	sst s0;
	s0 =	simm.s32 @!p2 $0x0  }
0x16: {  	s3 =	sld [smem:$0x3FDB];
	s0 =	simm.s32 @p2 $0x1  }
0x17: {  	s4 =	simm.s32 $0x1BF5;
	[smem:$0x3FBA] =	sst s0  }
0x18: {  	s0 =	sld [smem:$0x3F9D];
	_ =	swait.ge [sflag:s4], $0x0  }
0x19: {  	s7 =	sld [smem:$0x3F9E]  }
0x1a: {  	s8 =	sadd.s32 $0xFFFFE003, lr  }
0x1b: {  	s9 =	sadd.s32 $0xFFFFFEF7, lr;
	s5 =	simm.s32 $0xFFFFFFFF;
	p2 =	slt.u32 s8, $0xFFFFF086  }
0x1c: {  	p1 =	slt.u32 s9, $0xF7A;
	s5 =	simm.s32 @!p2 $0x0  }
0x1d: {  	s5 =	simm.s32 @p1 $0x1;
	p0 =	seq.s32 s7, s2  }
0x1e: {  	s7 =	smul.u32 @!p0 $0xF7A, s2;
	p2 =	seq.s32 @!p0 s5, $0x0  }
0x1f: {  	s9 =	smul.u32 $0xF7A, s1;
	s8 =	simm.s32 @!p0 $0x1BF5;
	p2 =	por !p2, p0  }
0x20: {  	[sflag:s8] =	ssyncset.s32 @!p0 $0xFFFFF086;
	s6 =	sadd.s32 @!p0 s3, s7;
	s7 =	simm.s32 @!p0 $0x108  }
0x21: {  	s3 =	sadd.s32 s3, s9;
	s6 =	sadd.s32 @!p0 $0x88, s6;
	s7 =	simm.s32 @p2 $0x1082  }
0x22: {  	[simem:s7], [sflag:s8] =	dma.local @!p0 [hbm:s6], $0xF7A  }
0x23: {  	s9 =	sor.u32 $0xD0000000, s2;
	s6 =	simm.s32 $0x108;
	_ =	swait.ge @!p0 [sflag:s8], $0x0  }
0x24: {  	s3 =	sadd.s32 $0x88, s3;
	s6 =	simm.s32 @!p1 $0x1082;
	[sflag:s4] =	ssyncset.s32 $0xFFFFF086  }
0x25: {  	[simem:s6], [sflag:s4] =	dma.local [hbm:s3], $0xF7A  }
0x26: {  	[smem:$0x3F9E] =	sst s1;
	(tag) =	ssettag s2;
	_ =	strace s9  }
0x27: {  	s1 =	sld [smem:$0x3FAE]  }
0x28: {  	s2 =	sld [smem:$0x3FAF]  }
0x29: {  	s4 =	sld [smem:$0x3FB1]  }
0x2a: {  	p0 =	seq.s32 s5, $0x0;
	s5 =	sld [smem:$0x3FB2]  }
0x2b: {  	s6 =	sld [smem:$0x3FB3]  }
0x2c: {  	s7 =	sld [smem:$0x3FB4]  }
0x2d: {  	s3 =	simm.s32 $0x108;
	s8 =	sld [smem:$0x3FB5]  }
0x2e: {  	s3 =	simm.s32 @!p0 $0x1082;
	s9 =	sld [smem:$0x3FB6]  }
0x2f: {  	lr =	sadd.s32 s0, s3;
	s0 =	sld [smem:$0x3FAD]  }
0x30: {  	s3 =	sld [smem:$0x3FB0]  }
0x31: {  	[smem:$0x3FB9] =	sst s10  }
0x32: {  	s10 =	sld [smem:$0x3FB7];
	_ =	sdelay $0x3  }
0x33: {  	p0 =	seq.s32 s10, $0x1;
	s10 =	sld [smem:$0x3FB9];
	_ =	sdelay $0x3  }
0x34: {  	[smem:$0x3FB9] =	sst s10  }
0x35: {  	s10 =	sld [smem:$0x3FB8];
	_ =	sdelay $0x3  }
0x36: {  	p1 =	seq.s32 s10, $0x1;
	s10 =	sld [smem:$0x3FB9];
	_ =	sdelay $0x3  }
0x37: {  	[smem:$0x3FB9] =	sst s10  }
0x38: {  	s10 =	sld [smem:$0x3FBA]  }
0x39: {  	_ = 	snop;
	(pc) =	sbr.ind lr, $3  }
0x3a: {  	_ = 	snop  }
0x3b: {  	_ = 	snop  }
0x3c: {  	p2 =	seq.s32 s10, $0x1;
	s10 =	sld [smem:$0x3FB9]  }
0x3d: {  	_ =	shalt  }
0x3e: {  	_ =	shalt  }
0x3f: {  	_ =	shalt  }
0x40: {  	_ =	shalt  }
0x41: {  	_ =	shalt  }
0x42: {  	_ =	shalt  }
0x43: {  	_ =	shalt  }
0x44: {  	_ =	shalt  }
0x45: {  	_ =	shalt  }
0x46: {  	_ =	shalt  }
0x47: {  	_ =	shalt  }
0x48: {  	_ =	shalt  }
0x49: {  	_ =	shalt  }
0x4a: {  	_ =	shalt  }
0x4b: {  	_ =	shalt  }
0x4c: {  	_ =	shalt  }
0x4d: {  	_ =	shalt  }
0x4e: {  	_ =	shalt  }
0x4f: {  	_ =	shalt  }
0x50: {  	_ =	shalt  }
0x51: {  	_ =	shalt  }
0x52: {  	_ =	shalt  }
0x53: {  	_ =	shalt  }
0x54: {  	_ =	shalt  }
0x55: {  	_ =	shalt  }
0x56: {  	_ =	shalt  }
0x57: {  	_ =	shalt  }
0x58: {  	_ =	shalt  }
0x59: {  	_ =	shalt  }
0x5a: {  	_ =	shalt  }
0x5b: {  	_ =	shalt  }
0x5c: {  	_ =	shalt  }
0x5d: {  	_ =	shalt  }
0x5e: {  	_ =	shalt  }
0x5f: {  	_ =	shalt  }
0x60: {  	_ =	shalt  }
0x61: {  	_ =	shalt  }
0x62: {  	_ =	shalt  }
0x63: {  	_ =	shalt  }
0x64: {  	_ =	shalt  }
0x65: {  	_ =	shalt  }
0x66: {  	_ =	shalt  }
0x67: {  	_ =	shalt  }
0x68: {  	_ =	shalt  }
0x69: {  	_ =	shalt  }
0x6a: {  	_ =	shalt  }
0x6b: {  	_ =	shalt  }
0x6c: {  	_ =	shalt  }
0x6d: {  	_ =	shalt  }
0x6e: {  	_ =	shalt  }
0x6f: {  	_ =	shalt  }
0x70: {  	_ =	shalt  }
0x71: {  	_ =	shalt  }
0x72: {  	_ =	shalt  }
0x73: {  	_ =	shalt  }
0x74: {  	_ =	shalt  }
0x75: {  	_ =	shalt  }
0x76: {  	_ =	shalt  }
0x77: {  	_ =	shalt  }
0x78: {  	_ =	shalt  }
0x79: {  	_ =	shalt  }
0x7a: {  	_ =	shalt  }
0x7b: {  	_ =	shalt  }
0x7c: {  	_ =	shalt  }
0x7d: {  	_ =	shalt  }
0x7e: {  	_ =	shalt  }
0x7f: {  	_ =	shalt  }
0x80: {  	_ =	shalt  }
0x81: {  	_ =	shalt  }
0x82: {  	_ =	shalt  }
0x83: {  	_ =	shalt  }
0x84: {  	_ =	shalt  }
0x85: {  	_ =	shalt  }
0x86: {  	_ =	shalt  }
0x87: {  	_ =	shalt  }
.Lfunc_end0:
.L_simem_size_0:
called_computation_lowered:
.L_overlay_start_0:
0x88: {  	s2 =	sld [smem:$0x3FD9]  }
0x89: {  	s3 =	sld [smem:$0x3FFE];
	_ =	sdelay $0x1  }
0x8a: {  	s1 =	srdreg.scid  }
0x8b: {  	s0 =	sand.u32 $0x1, s1  }
0x8c: {  	s17 =	sshll.u32 s0, $0xA;
	s2 =	sadd.s32 s3, s2  }
0x8d: {  	s2 =	sadd.s32 s2, s17  }
0x8e: {  	[smem:$0x3FC5] =	sst s2  }
0x8f: {  	_ = 	snop  }
0x90: {  	s2 =	sld [smem:$0x3FC7]  }
0x91: {  	s18 =	sld [smem:$0x3FD0];
	(tm) =	ssettm $0x1  }
0x92: {  	s4 =	sld [smem:$0x3FFB];
	_ =	sdelay $0x3  }
0x93: {  	_ =	strace s4  }
0x94: {  	s4 =	sld [smem:$0x3FFC];
	_ =	sdelay $0x3  }
0x95: {  	_ =	strace s4  }
0x96: {  	s4 =	sld [smem:$0x3FFD];
	_ =	sdelay $0x3  }
0x97: {  	_ =	strace s4  }
0x98: {  	_ =	strace $0x8FFFFFFF  }
0x99: {  	s19 =	sld [smem:$0x3FDB];
	_ =	sdelay $0x1  }
0x9a: {  	s5 =	simm.s32 $_scs_section_size  }
0x9b: {  	s6 =	simm.s32 $_size__tile_overlayer_lowered;
	s7 =	simm.s32 $_tile_overlayer_lowered  }
0x9c: {  	s22 =	simm.s32 $0x1BFF;
	s21 =	sshll.u32 s7, $0x1;
	s4 =	sadd.s32 s5, s19  }
0x9d: {  	s8 =	simm.s32 $0x0;
	s20 =	sshll.u32 s6, $0x1;
	s6 =	sadd.s32 s21, s4  }
0x9e: {  	[timem:s8], [sflag:s22] =	dma.local [hbm:s6], s20  }
0x9f: {  	_ =	swait.ge [sflag:s22], s20  }
0xa0: {  	s5 =	ssub.s32 $0x0, s20;
	[sflag:s22] =	ssyncset.done $0x0  }
0xa1: {  	[sflag:s22] =	ssyncadd.s32 s5;
	_ =	sdelay $0x1  }
0xa2: {  	s23 =	simm.s32 $0x1B8B  }
0xa3: {  	_ =	swait.ge [sflag:s23], $0x1  }
0xa4: {  	[sflag:s23] =	ssyncset.done $0x0  }
0xa5: {  	s25 =	simm.s32 $0x1B8E;
	s24 =	sld [smem:$0x3FFE];
	[sflag:s23] =	ssyncadd.s32 $0xFFFFFFFF  }
0xa6: {  	s26 =	simm.s32 $execute0_lowered;
	[smem:$0x3FD2] =	sst s25  }
0xa7: {  	s6 =	sshll.u32 s26, $0x1;
	_ =	strace $0x80000046;
	[dreg:$0x1] =	wrdreg $0xFFFFFFFF  }
0xa8: {  	s28 =	simm.s32 $_size_execute0_lowered;
	s4 =	sadd.s32 s4, s6;
	[dreg:$0x0] =	wrdreg $0x0  }
0xa9: {  	s6 =	sshll.u32 s28, $0x1;
	[dreg:$0x2] =	wrdreg s4  }
0xaa: {  	[dreg:$0x3] =	wrdreg s6  }
0xab: {  	[dreg:$0x4] =	wrdreg $0xC0  }
0xac: {  	_ =	task [dreg:s8], $0x5FFFF  }
0xad: {  	[dreg:$0x1] =	wrdreg $0xFFFFFFFF  }
0xae: {  	[dreg:$0x0] =	wrdreg $0x60  }
0xaf: {  	[dreg:$0x2] =	wrdreg s2  }
0xb0: {  	[dreg:$0x3] =	wrdreg s18  }
0xb1: {  	[dreg:$0x4] =	wrdreg s24  }
0xb2: {  	[dreg:$0x5] =	wrdreg $0x9  }
0xb3: {  	_ =	task.clear_ibuf [dreg:s8], $0x6FFFF;
	_ =	strace $0x90000046  }
0xb4: {  	s29 =	simm.s32 $0x9;
	_ =	strace $0x80000048  }
0xb5: {  	_ =	swait.ge [sflag:s29], $0x1  }
0xb6: {  	[sflag:s29] =	ssyncadd.s32 $0xFFFFFFFF  }
0xb7: {  	_ =	strace $0x90000048  }
0xb8: {  	_ =	sfence  }
0xb9: {  	s30 =	sld [smem:$0x0];
	_ =	sdelay $0x2  }
0xba: {  	s31 =	sshll.u32 s1, $0xD;
	s1 =	sshrl.u32 s1, $0x2  }
0xbb: {  	s3 =	sand.u32 $0x4000, s31;
	s1 =	sadd.s32 s1, s30  }
0xbc: {  	s0 =	sor.u32 s3, s0;
	s1 =	sshll.u32 s1, $0x11  }
0xbd: {  	s0 =	sor.u32 s1, s0  }
0xbe: {  	s0 =	sadd.s32 $0x8F2B, s0  }
0xbf: {  	[sflag:s0] =	ssyncadd.remote.s32 $0x1  }
0xc0: {  	_ =	sfence.sel $0xFFFF  }
0xc1: {  	[dreg:$0x0] =	wrdreg $0xFFFFFFFF;
	(pc) =	sbr.abs _section_cstart, $3  }
0xc2: {  	[dreg:$0x1] =	wrdreg $0xFFFFFFFF  }
0xc3: {  	_ =	task.clear_ibuf [dreg:s8], $0x2FFFF;
	_ =	strace $0x9FFFFFFF  }
0xc4: {  	(tm) =	ssettm $0x7FFFFFFF  }
0xc5: {  	_ =	shalt  }
tec
execute0_lowered:
.L_overlay_start_1:
0x0: {  	(tag) =	ssettag $0x1  }
0x1: {  	s1 =	rddreg [dreg:$0x0]  }
0x2: {  	s2 =	srdreg.scid;
	s0 =	stileid.u32  }
0x3: {  	s4 =	rddreg [dreg:$0x1];
	s13 =	sand.u32 $0x1, s2;
	s28 =	sshll.u32 s0, $0x1  }
0x4: {  	s11 =	rddreg [dreg:$0x2];
	s12 =	sor.u32 s13, s28  }
0x5: {  	s3 =	simm.s32 $0x0;
	s2 =	rddreg [dreg:$0x3];
	s5 =	smul.u32 $0xD, s12  }
0x6: {  	[smem:$0x7FF] =	sst s3  }
0x7: {  	_ =	strace $0x80000047;
	s4 =	sadd.s32 s4, s5;
	s5 =	simm.s32 $0x4  }
0x8: {  	[tilespmem:s3], [sflag:$0x4] =	stream.linear.gather [hbm4b:s4+s3], $0x68, $0x38;
	[tilespmem:$0x3480] =	vst v63  }
0x9: {  	s6 =	simm.s32 $0x38;
	_ =	swait.ge [sflag:s5], $0x68  }
0xa: {  	s7 =	simm.s32 $0x80;
	s8 =	simm.s32 $0x30;
	[sflag:s5] =	ssyncset.done $0x0  }
0xb: {  	s9 =	simm.s32 $0x1C80;
	s14 =	smul.u32 $0x680, s12;
	[sflag:s5] =	ssyncadd.s32 $0xFFFFFF98  }
0xc: {  	[tilespmem:s7], [sflag:$0x1] =	stream.indirect.gather [hbm4b:s1+s6], $0x80, s3, s6, $0xb8;
	[tilespmem:$0x3480] =	vst v63  }
0xd: {  	s10 =	simm.s32 $0x1;
	s15 =	sadd.s32 $0x400, s11;
	s29 =	smul.u32 $0x3400, s12  }
0xe: {  	[tilespmem:s9], [sflag:$0x2] =	stream.indirect.gather [hbm4b:s1+s8], $0x80, s6, s8, $0xb8;
	[tilespmem:$0x3480] =	vst v63  }
0xf: {  	s30 =	ssub.s32 $0x2, s13;
	s12 =	simm.s32 $0x2;
	_ =	swait.ge [sflag:s10], $0x1C00  }
0x10: {  	s11 =	sadd.s32 s15, s14;
	s14 =	sshrl.u32 s29, $0x3;
	[sflag:s10] =	ssyncset.done $0x0  }
0x11: {  	s31 =	sshrl.u32 s30, $0x1;
	s14 =	sadd.s32 s15, s14;
	[sflag:s10] =	ssyncadd.s32 $0xFFFFE400  }
0x12: {  	[hbm4b:s11+s3] =	stream.linear.scatter [tilespmem:s7], [sflag:$0x3], $0x1C00, $0x38;
	[tilespmem:$0x3480] =	vst v63  }
0x13: {  	s13 =	sadd.s32 $0x380, s14;
	s14 =	ssub.s32 s30, s31;
	_ =	swait.ge [sflag:s12], $0x1800  }
0x14: {  	s15 =	smax.u32 s14, $0x1;
	[sflag:s12] =	ssyncset.done $0x0  }
0x15: {  	p0 =	sne.s32 s15, $0x1;
	[sflag:s12] =	ssyncadd.s32 $0xFFFFE800  }
0x16: {  	[hbm4b:s13+s3] =	stream.linear.scatter [tilespmem:s9], [sflag:$0x4], $0x1800, $0x38;
	[tilespmem:$0x3480] =	vst v63  }
.Ltmp0:
0x17: {  	_ =	swait.ge [sflag:s5], $0x1800;
	(pc) =	sbr.rel @!p0 .LBB2_2-.Ltmp0, $4  }
0x18: {  	[sflag:s5] =	ssyncset.done $0x0  }
0x19: {  	s14 =	simm.s32 $0x3;
	[sflag:s5] =	ssyncadd.s32 $0xFFFFE800  }
0x1a: {  	_ =	swait.ge [sflag:s14], $0x1C00  }
0x1b: {  	s15 =	sadd.s32 $0xFFFFFFFF, s15;
	[sflag:s14] =	ssyncset.done $0x0  }
.LBB2_1:
0x1c: {  	p0 =	sne.s32 s15, $0x1;
	s15 =	sadd.s32 $0xFFFFFFFF, s15;
	[sflag:s14] =	ssyncadd.s32 $0xFFFFE400  }
0x1d: {  	[tilespmem:s3], [sflag:$0x4] =	stream.linear.gather [hbm4b:s4+s3], $0x68, $0x38;
	[tilespmem:$0x3480] =	vst v63  }
0x1e: {  	_ =	swait.ge [sflag:s5], $0x68  }
0x1f: {  	[sflag:s5] =	ssyncset.done $0x0  }
0x20: {  	[sflag:s5] =	ssyncadd.s32 $0xFFFFFF98  }
0x21: {  	[tilespmem:s7], [sflag:$0x1] =	stream.indirect.gather [hbm4b:s1+s6], $0x80, s3, s6, $0xb8;
	[tilespmem:$0x3480] =	vst v63  }
0x22: {  	_ = 	snop  }
0x23: {  	[tilespmem:s9], [sflag:$0x2] =	stream.indirect.gather [hbm4b:s1+s8], $0x80, s6, s8, $0xb8;
	[tilespmem:$0x3480] =	vst v63  }
0x24: {  	_ =	swait.ge [sflag:s10], $0x1C00  }
0x25: {  	[sflag:s10] =	ssyncset.done $0x0  }
0x26: {  	[sflag:s10] =	ssyncadd.s32 $0xFFFFE400  }
0x27: {  	[hbm4b:s11+s3] =	stream.linear.scatter [tilespmem:s7], [sflag:$0x3], $0x1C00, $0x38;
	[tilespmem:$0x3480] =	vst v63  }
0x28: {  	_ =	swait.ge [sflag:s12], $0x1800  }
0x29: {  	[sflag:s12] =	ssyncset.done $0x0  }
0x2a: {  	[sflag:s12] =	ssyncadd.s32 $0xFFFFE800  }
0x2b: {  	[hbm4b:s13+s3] =	stream.linear.scatter [tilespmem:s9], [sflag:$0x4], $0x1800, $0x38;
	[tilespmem:$0x3480] =	vst v63  }
.Ltmp1:
0x2c: {  	_ =	swait.ge [sflag:s5], $0x1800;
	(pc) =	sbr.rel @p0 .LBB2_1-.Ltmp1, $4  }
0x2d: {  	[sflag:s5] =	ssyncset.done $0x0  }
0x2e: {  	[sflag:s5] =	ssyncadd.s32 $0xFFFFE800  }
0x2f: {  	_ =	swait.ge [sflag:s14], $0x1C00  }
0x30: {  	[sflag:s14] =	ssyncset.done $0x0  }
.LBB2_2:
0x31: {  	[sflag:s14] =	ssyncadd.s32 $0xFFFFE400  }
0x32: {  	_ =	sfence.sel $0x180000  }
0x33: {  	[bflag:$0x0] =	sbarrier.arrive $0xFFFF  }
0x34: {  	p0 =	sne.s32 s0, $0x0;
	_ =	strace $0x90000047  }
0x35: {  	s0 =	sadd.s32 @!p0 $0x100000, s2;
	[bflag:$0x2] =	sbarrier.arrive $0xFFFF  }
0x36: {  	[sflag:s0] =	ssyncadd.tile.s32 @!p0 $0x1;
	_ =	shalt  }
.Lfunc_end2:
_tile_overlayer_lowered:
.L_overlay_start_2:
0x37: {  	(tag) =	ssettag $0x2  }
0x38: {  	s0 =	rddreg [dreg:$0x0];
	s2 =	stileid.u32  }
0x39: {  	s1 =	rddreg [dreg:$0x1];
	p0 =	sne.s32 s2, $0x0  }
0x3a: {  	s3 =	rddreg [dreg:$0x2];
	[bflag:$0x3] =	sbarrier.arrive $0xFFFF;
	s2 =	simm.s32 @!p0 $0x1C04  }
0x3b: {  	[timem:s3], [sflag:s2] =	dma.local @!p0 [hbm:s0], s1  }
0x3c: {  	s0 =	simm.s32 @!p0 $0x4  }
0x3d: {  	_ =	swait.ge @!p0 [sflag:s0], s1  }
0x3e: {  	s1 =	ssub.s32 @!p0 $0x0, s1;
	[sflag:s0] =	ssyncset.done @!p0 $0x0  }
0x3f: {  	[sflag:s0] =	ssyncadd.s32 @!p0 s1  }
0x40: {  	[bflag:$0x3] =	sbarrier.arrive $0xFFFF  }
0x41: {  	_ =	shalt  }

</sc_bundles>
